<compile_context>
chip_gen: v7x
topology: tpu7x:2x2x1
jax: 0.10.2.dev20260603
libtpu: 0.0.44.dev20260713+nightly
codegen_flags: <defaults>
</compile_context>

<pallas_src>
import jax
import jax.numpy as jnp
from jax import lax
from jax.experimental import pallas as pl
from jax.experimental.pallas import tpu as pltpu
from jax.experimental.pallas import tpu_sc as plsc

NEG_RATIO = 3.0
EPS = 1e-06

_R, _C = 8192, 512
_BLK_R = 1024

_HI, _LO = 56, 128
_NBINS = _HI * _LO
_OFFSET = 113 << 9


_LN2 = 0.6931471805599453


def _sums_body(pred_ref, gt_ref, mask_ref, out_ref):
    @pl.when(pl.program_id(0) == 0)
    def _init():
        out_ref[0, 0] = 0.0
        out_ref[0, 1] = 0.0
        out_ref[0, 2] = 0.0
        out_ref[0, 3] = 0.0

    pred = pred_ref[...]
    gt = gt_ref[...]
    mask = mask_ref[...]
    u = 1.0 - pred
    x = u + gt * (pred - u)
    l2 = jnp.log2(x)
    lm = l2 * mask
    out_ref[0, 0] += jnp.sum(mask)
    out_ref[0, 1] += jnp.sum(mask * gt)
    out_ref[0, 2] += jnp.sum(lm)
    out_ref[0, 3] += jnp.sum(lm * gt)

    @pl.when(pl.program_id(0) == pl.num_programs(0) - 1)
    def _fin():
        sm = out_ref[0, 0]
        smg = out_ref[0, 1]
        slm = out_ref[0, 2]
        slmg = out_ref[0, 3]
        pcnt = smg
        ncnt = sm - smg
        psum = -_LN2 * slmg
        nsum = -_LN2 * (slm - slmg)
        kfloor = jnp.floor(pcnt * NEG_RATIO)
        negcnt = jnp.minimum(ncnt, kfloor)
        out_ref[0, 0] = (psum + nsum) / (pcnt + negcnt + EPS)
        out_ref[0, 1] = jnp.where(kfloor >= ncnt, 1.0, 0.0)
        out_ref[0, 2] = negcnt
        out_ref[0, 3] = psum
        out_ref[0, 4] = pcnt


_N_ELEMS = _R * _C
_SC_W = 32
_SC_PER_W = _N_ELEMS // _SC_W
_SC_CHUNK = 4096
_SC_LANES = 16


def _prep_body(pred_ref, gt_ref, mask_ref, v_ref):
    pred = pred_ref[...]
    gt = gt_ref[...]
    mask = mask_ref[...]
    neg = (1.0 - gt) * mask
    v_ref[...] = jnp.where(neg > 0.5, 1.0 - pred, 2.0)


def _run_prep(p2, g2, m2):
    return pl.pallas_call(
        _prep_body,
        grid=(_R // _BLK_R,),
        in_specs=[pl.BlockSpec((_BLK_R, _C), lambda i: (i, 0))] * 3,
        out_specs=pl.BlockSpec((_BLK_R, _C), lambda i: (i, 0)),
        out_shape=jax.ShapeDtypeStruct((_R, _C), jnp.float32),
    )(p2, g2, m2)


def _sc_hist_body(v_hbm, cnt_hbm, su_hbm, vbuf, cnt_v, su_v):
    wid = lax.axis_index("s") * 2 + lax.axis_index("c")
    zeros = jnp.zeros((_SC_LANES,), jnp.float32)
    ones = jnp.ones((_SC_LANES,), jnp.float32)

    def zero_body(j, carry):
        s = pl.ds(j * _SC_LANES, _SC_LANES)
        cnt_v[s] = zeros
        su_v[s] = zeros
        return carry

    lax.fori_loop(0, _NBINS // _SC_LANES, zero_body, 0)

    def chunk_body(ci, carry):
        base = wid * _SC_PER_W + ci * _SC_CHUNK
        pltpu.sync_copy(v_hbm.at[pl.ds(base, _SC_CHUNK)], vbuf)

        def vec_body(i, c2):
            u = vbuf[pl.ds(i * _SC_LANES, _SC_LANES)]
            negb = u < 1.5
            bits = plsc.bitcast(u, jnp.int32)
            idx = jnp.clip(lax.shift_right_arithmetic(bits, 14) - _OFFSET,
                           0, _NBINS - 1)
            plsc.addupdate_scatter(cnt_v, [idx], ones, mask=negb)
            plsc.addupdate_scatter(su_v, [idx], u, mask=negb)
            return c2

        lax.fori_loop(0, _SC_CHUNK // _SC_LANES, vec_body, 0)
        return carry

    lax.fori_loop(0, _SC_PER_W // _SC_CHUNK, chunk_body, 0)
    pltpu.sync_copy(cnt_v, cnt_hbm.at[wid])
    pltpu.sync_copy(su_v, su_hbm.at[wid])


def _select_body(cnt_ref, su_ref, k_ref, out_ref):
    c = jnp.zeros((_HI, _LO), jnp.float32)
    su = jnp.zeros((_HI, _LO), jnp.float32)
    for w in range(_SC_W):
        c = c + cnt_ref[w * _HI:(w + 1) * _HI, :]
        su = su + su_ref[w * _HI:(w + 1) * _HI, :]
    k = k_ref[0, 0]
    tri = (lax.broadcasted_iota(jnp.int32, (_LO, _LO), 0)
           <= lax.broadcasted_iota(jnp.int32, (_LO, _LO), 1)).astype(jnp.float32)
    cc_in = lax.dot_general(c, tri, (((1,), (0,)), ((), ())),
                            preferred_element_type=jnp.float32)
    rowsum = cc_in[:, _LO - 1:_LO]
    strict = (lax.broadcasted_iota(jnp.int32, (_HI, _HI), 1)
              < lax.broadcasted_iota(jnp.int32, (_HI, _HI), 0)).astype(jnp.float32)
    rows_before = lax.dot_general(strict, rowsum, (((1,), (0,)), ((), ())),
                                  preferred_element_type=jnp.float32)
    ccprev = rows_before + cc_in - c
    take = jnp.clip(k - ccprev, 0.0, c)
    est = -jnp.log(jnp.maximum(su, 1e-30) / jnp.maximum(c, 1.0))
    est = jnp.where(c > 0.0, est, 0.0)
    out_ref[0, 0] = jnp.sum(take * est)


def _scalar_spec():
    return pl.BlockSpec((1, 1), lambda *_: (0, 0), memory_space=pltpu.SMEM)


def _run_sums(p2, g2, m2):
    return pl.pallas_call(
        _sums_body,
        grid=(_R // _BLK_R,),
        in_specs=[pl.BlockSpec((_BLK_R, _C), lambda i: (i, 0))] * 3,
        out_specs=pl.BlockSpec((1, 8), lambda i: (0, 0),
                               memory_space=pltpu.SMEM),
        out_shape=jax.ShapeDtypeStruct((1, 8), jnp.float32),
        compiler_params=pltpu.CompilerParams(
            dimension_semantics=("arbitrary",)),
    )(p2, g2, m2)


def _run_hist(vflat):
    mesh = plsc.VectorSubcoreMesh(core_axis_name="c", subcore_axis_name="s")
    call = pl.kernel(
        _sc_hist_body, mesh=mesh,
        compiler_params=pltpu.CompilerParams(needs_layout_passes=False),
        out_type=[jax.ShapeDtypeStruct((_SC_W, _NBINS), jnp.float32)] * 2,
        scratch_types=[
            pltpu.VMEM((_SC_CHUNK,), jnp.float32),
            pltpu.VMEM((_NBINS,), jnp.float32),
            pltpu.VMEM((_NBINS,), jnp.float32),
        ],
    )
    return call(vflat)


def _run_select(cnt, su, k):
    out = pl.pallas_call(
        _select_body,
        in_specs=[pl.BlockSpec((_SC_W * _HI, _LO), lambda: (0, 0))] * 2
        + [_scalar_spec()],
        out_specs=_scalar_spec(),
        out_shape=jax.ShapeDtypeStruct((1, 1), jnp.float32),
    )(cnt.reshape(_SC_W * _HI, _LO), su.reshape(_SC_W * _HI, _LO),
      k.reshape(1, 1))
    return out[0, 0]


def kernel(pred, gt, mask):
    p2 = pred.reshape(_R, _C)
    g2 = gt.reshape(_R, _C)
    m2 = mask.reshape(_R, _C)
    stats = _run_sums(p2, g2, m2)
    full_ans = stats[0, 0]
    full_flag = stats[0, 1]
    negcnt = stats[0, 2]
    psum = stats[0, 3]
    pcnt = stats[0, 4]

    def _full(_):
        return full_ans

    def _topk(_):
        v2 = _run_prep(p2, g2, m2)
        cnt, su = _run_hist(v2.reshape(-1))
        nts = _run_select(cnt, su, negcnt)
        return (psum + nts) / (pcnt + negcnt + EPS)

    return lax.cond(full_flag > 0.5, _full, _topk, None)

# --- scband reference (transcript-rebuilt; emitter-appended) ---
"""Pipeline reference for scband-balance-cross-entropy-loss-20856361189515 (READ-ONLY COPY).

The authoritative reference and input builder live on the scoring server;
editing this copy changes nothing except your own understanding.
"""

import jax, jax.numpy as jnp
import numpy as np

NEGATIVE_RATIO = 3.0
EPS = 1e-06


def setup_inputs(seed: int = 0) -> dict:
    key = jax.random.key(seed)
    k1, k2, k3 = jax.random.split(key, 3)
    shape = (16, 512, 512)
    # pred must be a valid probability strictly inside (0,1) for BCE
    pred = jax.random.uniform(k1, shape, dtype=jnp.float32, minval=1e-4, maxval=1.0 - 1e-4)
    gt = jax.random.randint(k2, shape, 0, 2).astype(jnp.float32)
    mask = jax.random.randint(k3, shape, 0, 2).astype(jnp.float32)
    return {"pred": pred, "gt": gt, "mask": mask}


def reference(pred, gt, mask):
    # F.binary_cross_entropy(pred, gt, reduction='none')
    loss = -(gt * jnp.log(pred) + (1.0 - gt) * jnp.log(1.0 - pred))
    positive = (gt * mask).astype(jnp.uint8)
    negative = ((1.0 - gt) * mask).astype(jnp.uint8)
    positive_loss = loss * positive.astype(jnp.float32)
    negative_loss = loss * negative.astype(jnp.float32)
    positive_count = positive.astype(jnp.float32).sum()
    negative_count = jnp.minimum(
        negative.astype(jnp.float32).sum(),
        jnp.floor(positive_count * NEGATIVE_RATIO),
    )
    flat_negative_loss = negative_loss.reshape(-1)
    neg_sorted, _ = jax.lax.top_k(flat_negative_loss, flat_negative_loss.shape[0])
    ranks = jnp.arange(flat_negative_loss.shape[0], dtype=jnp.float32)
    neg_top_sum = jnp.sum(jnp.where(ranks < negative_count, neg_sorted, 0.0))
    balance_loss = (positive_loss.sum() + neg_top_sum) / (positive_count + negative_count + EPS)
    return balance_loss

if __name__ == "__main__":
    import jax
    _d = setup_inputs()
    print(jax.jit(kernel)(*tuple(_d.values())))

</pallas_src>

<mosaic_0001>
#map = affine_map<(d0, d1) -> (0)>
#map1 = affine_map<(d0, d1) -> (0, 0)>
module attributes {stable_mosaic.version = 14 : i64} {
  func.func @_sc_hist_body(%arg0: i32, %arg1: i32, %arg2: memref<4194304xf32, #tpu.memory_space<hbm>>, %arg3: memref<32x7168xf32, #tpu.memory_space<hbm>>, %arg4: memref<32x7168xf32, #tpu.memory_space<hbm>>, %arg5: memref<4096xf32, #tpu.memory_space<vmem>>, %arg6: memref<7168xf32, #tpu.memory_space<vmem>>, %arg7: memref<7168xf32, #tpu.memory_space<vmem>>) attributes {dimension_semantics = [#tpu.dimension_semantics<core_parallel>, #tpu.dimension_semantics<subcore_parallel>], iteration_bounds = array<i64: 2, 16>, scalar_prefetch = 0 : i64, scratch_operands = 3 : i64, tpu.core_type = #tpu.core_type<sc_vector_subcore>, window_params = [{transform_indices = #map}, {transform_indices = #map1}, {transform_indices = #map1}]} {
    %mul3A = arith.constant 2 : i32
    %mul3A_0 = arith.muli %arg1, %mul3A : i32
    %add3A = arith.addi %mul3A_0, %arg0 : i32
    %broadcast_in_dim3A = arith.constant 0.000000e+00 : f32
    %broadcast_in_dim3A_1 = vector.broadcast %broadcast_in_dim3A : f32 to vector<16xf32>
    %broadcast_in_dim3A_2 = arith.constant 1.000000e+00 : f32
    %broadcast_in_dim3A_3 = vector.broadcast %broadcast_in_dim3A_2 : f32 to vector<16xf32>
    %scan3A = arith.constant 0 : i32
    %scan3A_4 = arith.constant 0 : i32
    %scan3A_5 = arith.constant 448 : i32
    %scan3A_6 = arith.addi %scan3A_4, %scan3A_5 : i32
    %scan3A_7 = arith.constant 1 : i32
    scf.for %scan3A_15 = %scan3A_4 to %scan3A_6 step %scan3A_7  : i32 {
      %mul3A_16 = arith.constant 16 : i32
      %mul3A_17 = arith.muli %scan3A_15, %mul3A_16 : i32
      %swap3A = arith.index_cast %mul3A_17 : i32 to index
      %swap3A_18 = tpu.vector_load %arg6[%swap3A] {strides = array<i32>} : memref<7168xf32, #tpu.memory_space<vmem>>, vector<16xf32>,
      tpu.vector_store %arg6[%swap3A], %broadcast_in_dim3A_1 {strides = array<i32>} : memref<7168xf32, #tpu.memory_space<vmem>>, vector<16xf32>,
      %swap3A_19 = arith.index_cast %mul3A_17 : i32 to index
      %swap3A_20 = tpu.vector_load %arg7[%swap3A_19] {strides = array<i32>} : memref<7168xf32, #tpu.memory_space<vmem>>, vector<16xf32>,
      tpu.vector_store %arg7[%swap3A_19], %broadcast_in_dim3A_1 {strides = array<i32>} : memref<7168xf32, #tpu.memory_space<vmem>>, vector<16xf32>,
    }
    %scan3A_8 = arith.constant 448 : i32
    %scan3A_9 = arith.constant 0 : i32
    %scan3A_10 = arith.constant 0 : i32
    %scan3A_11 = arith.constant 32 : i32
    %scan3A_12 = arith.addi %scan3A_10, %scan3A_11 : i32
    %scan3A_13 = arith.constant 1 : i32
    scf.for %scan3A_15 = %scan3A_10 to %scan3A_12 step %scan3A_13  : i32 {
      %mul3A_16 = arith.constant 131072 : i32
      %mul3A_17 = arith.muli %add3A, %mul3A_16 : i32
      %mul3A_18 = arith.constant 4096 : i32
      %mul3A_19 = arith.muli %scan3A_15, %mul3A_18 : i32
      %add3A_20 = arith.addi %mul3A_17, %mul3A_19 : i32
      "tpu.region"() ({
        %run_scoped3A = tpu.sem_alloc : memref<!tpu.dma_semaphore, #tpu.memory_space<semaphore_mem>>
        %dma_start3A = tpu.memref_slice %arg2[%add3A_20] : memref<4194304xf32, #tpu.memory_space<hbm>> -> memref<4096xf32, #tpu.memory_space<hbm>>
        %dma_start3A_27 = tpu.memref_slice %arg2[%add3A_20] : memref<4194304xf32, #tpu.memory_space<hbm>> -> memref<4096xf32, #tpu.memory_space<hbm>>
        tpu.enqueue_dma source(%dma_start3A_27 : memref<4096xf32, #tpu.memory_space<hbm>>) target(%arg5 : memref<4096xf32, #tpu.memory_space<vmem>>) target_semaphore(%run_scoped3A : memref<!tpu.dma_semaphore, #tpu.memory_space<semaphore_mem>>)
        %dma_wait3A = tpu.memref_slice %arg2[%add3A_20] : memref<4194304xf32, #tpu.memory_space<hbm>> -> memref<4096xf32, #tpu.memory_space<hbm>>
        %dma_wait3A_28 = tpu.memref_slice %arg2[%add3A_20] : memref<4194304xf32, #tpu.memory_space<hbm>> -> memref<4096xf32, #tpu.memory_space<hbm>>
        tpu.wait_dma2 semaphore(%run_scoped3A : memref<!tpu.dma_semaphore, #tpu.memory_space<semaphore_mem>>) src(%dma_wait3A_28 : memref<4096xf32, #tpu.memory_space<hbm>>) dst(%arg5 : memref<4096xf32, #tpu.memory_space<vmem>>)
        tpu.yield
      }) : () -> ()
      %scan3A_21 = arith.constant 0 : i32
      %scan3A_22 = arith.constant 0 : i32
      %scan3A_23 = arith.constant 256 : i32
      %scan3A_24 = arith.addi %scan3A_22, %scan3A_23 : i32
      %scan3A_25 = arith.constant 1 : i32
      scf.for %scan3A_27 = %scan3A_22 to %scan3A_24 step %scan3A_25  : i32 {
        %mul3A_28 = arith.constant 16 : i32
        %mul3A_29 = arith.muli %scan3A_27, %mul3A_28 : i32
        %get3A = arith.index_cast %mul3A_29 : i32 to index
        %get3A_30 = tpu.vector_load %arg5[%get3A] {strides = array<i32>} : memref<4096xf32, #tpu.memory_space<vmem>>, vector<16xf32>,
        %lt3A = arith.constant 1.500000e+00 : f32
        %lt3A_31 = vector.broadcast %lt3A : f32 to vector<16xf32>
        %lt3A_32 = arith.cmpf olt, %get3A_30, %lt3A_31 : vector<16xf32>
        %bitcast3A = vector.bitcast %get3A_30 : vector<16xf32> to vector<16xi32>
        %shift_right_arithmetic3A = arith.constant 14 : i32
        %shift_right_arithmetic3A_33 = vector.broadcast %shift_right_arithmetic3A : i32 to vector<16xi32>
        %shift_right_arithmetic3A_34 = arith.shrsi %bitcast3A, %shift_right_arithmetic3A_33 : vector<16xi32>
        %sub3A = arith.constant 57856 : i32
        %sub3A_35 = vector.broadcast %sub3A : i32 to vector<16xi32>
        %sub3A_36 = arith.subi %shift_right_arithmetic3A_34, %sub3A_35 : vector<16xi32>
        %jit3A = arith.constant 0 : i32
        %jit3A_37 = arith.constant 7167 : i32
        %max3A = vector.broadcast %jit3A : i32 to vector<16xi32>
        %max3A_38 = arith.maxsi %max3A, %sub3A_36 : vector<16xi32>
        %min3A = vector.broadcast %jit3A_37 : i32 to vector<16xi32>
        %min3A_39 = arith.minsi %min3A, %max3A_38 : vector<16xi32>
        tpu.vector_store_idx %arg6[%min3A_39], %broadcast_in_dim3A_3 masked %lt3A_32 {add = true} : memref<7168xf32, #tpu.memory_space<vmem>>[vector<16xi32>], vector<16xf32>, vector<16xi1>
        tpu.vector_store_idx %arg7[%min3A_39], %get3A_30 masked %lt3A_32 {add = true} : memref<7168xf32, #tpu.memory_space<vmem>>[vector<16xi32>], vector<16xf32>, vector<16xi1>
      }
      %scan3A_26 = arith.constant 256 : i32
    }
    %scan3A_14 = arith.constant 32 : i32
    "tpu.region"() ({
      %run_scoped3A = tpu.sem_alloc : memref<!tpu.dma_semaphore, #tpu.memory_space<semaphore_mem>>
      %dma_start3A = arith.constant 0 : i32
      %dma_start3A_15 = tpu.memref_slice %arg3[%add3A, %dma_start3A] : memref<32x7168xf32, #tpu.memory_space<hbm>> -> memref<1x7168xf32, #tpu.memory_space<hbm>>
      %dma_start3A_16 = tpu.memref_squeeze %dma_start3A_15 : memref<1x7168xf32, #tpu.memory_space<hbm>> -> memref<7168xf32, #tpu.memory_space<hbm>>
      %dma_start3A_17 = arith.constant 0 : i32
      %dma_start3A_18 = tpu.memref_slice %arg3[%add3A, %dma_start3A_17] : memref<32x7168xf32, #tpu.memory_space<hbm>> -> memref<1x7168xf32, #tpu.memory_space<hbm>>
      %dma_start3A_19 = tpu.memref_squeeze %dma_start3A_18 : memref<1x7168xf32, #tpu.memory_space<hbm>> -> memref<7168xf32, #tpu.memory_space<hbm>>
      tpu.enqueue_dma source(%arg6 : memref<7168xf32, #tpu.memory_space<vmem>>) target(%dma_start3A_19 : memref<7168xf32, #tpu.memory_space<hbm>>) target_semaphore(%run_scoped3A : memref<!tpu.dma_semaphore, #tpu.memory_space<semaphore_mem>>)
      %dma_wait3A = arith.constant 0 : i32
      %dma_wait3A_20 = tpu.memref_slice %arg3[%add3A, %dma_wait3A] : memref<32x7168xf32, #tpu.memory_space<hbm>> -> memref<1x7168xf32, #tpu.memory_space<hbm>>
      %dma_wait3A_21 = tpu.memref_squeeze %dma_wait3A_20 : memref<1x7168xf32, #tpu.memory_space<hbm>> -> memref<7168xf32, #tpu.memory_space<hbm>>
      %dma_wait3A_22 = arith.constant 0 : i32
      %dma_wait3A_23 = tpu.memref_slice %arg3[%add3A, %dma_wait3A_22] : memref<32x7168xf32, #tpu.memory_space<hbm>> -> memref<1x7168xf32, #tpu.memory_space<hbm>>
      %dma_wait3A_24 = tpu.memref_squeeze %dma_wait3A_23 : memref<1x7168xf32, #tpu.memory_space<hbm>> -> memref<7168xf32, #tpu.memory_space<hbm>>
      tpu.wait_dma2 semaphore(%run_scoped3A : memref<!tpu.dma_semaphore, #tpu.memory_space<semaphore_mem>>) src(%arg6 : memref<7168xf32, #tpu.memory_space<vmem>>) dst(%dma_wait3A_24 : memref<7168xf32, #tpu.memory_space<hbm>>)
      tpu.yield
    }) : () -> ()
    "tpu.region"() ({
      %run_scoped3A = tpu.sem_alloc : memref<!tpu.dma_semaphore, #tpu.memory_space<semaphore_mem>>
      %dma_start3A = arith.constant 0 : i32
      %dma_start3A_15 = tpu.memref_slice %arg4[%add3A, %dma_start3A] : memref<32x7168xf32, #tpu.memory_space<hbm>> -> memref<1x7168xf32, #tpu.memory_space<hbm>>
      %dma_start3A_16 = tpu.memref_squeeze %dma_start3A_15 : memref<1x7168xf32, #tpu.memory_space<hbm>> -> memref<7168xf32, #tpu.memory_space<hbm>>
      %dma_start3A_17 = arith.constant 0 : i32
      %dma_start3A_18 = tpu.memref_slice %arg4[%add3A, %dma_start3A_17] : memref<32x7168xf32, #tpu.memory_space<hbm>> -> memref<1x7168xf32, #tpu.memory_space<hbm>>
      %dma_start3A_19 = tpu.memref_squeeze %dma_start3A_18 : memref<1x7168xf32, #tpu.memory_space<hbm>> -> memref<7168xf32, #tpu.memory_space<hbm>>
      tpu.enqueue_dma source(%arg7 : memref<7168xf32, #tpu.memory_space<vmem>>) target(%dma_start3A_19 : memref<7168xf32, #tpu.memory_space<hbm>>) target_semaphore(%run_scoped3A : memref<!tpu.dma_semaphore, #tpu.memory_space<semaphore_mem>>)
      %dma_wait3A = arith.constant 0 : i32
      %dma_wait3A_20 = tpu.memref_slice %arg4[%add3A, %dma_wait3A] : memref<32x7168xf32, #tpu.memory_space<hbm>> -> memref<1x7168xf32, #tpu.memory_space<hbm>>
      %dma_wait3A_21 = tpu.memref_squeeze %dma_wait3A_20 : memref<1x7168xf32, #tpu.memory_space<hbm>> -> memref<7168xf32, #tpu.memory_space<hbm>>
      %dma_wait3A_22 = arith.constant 0 : i32
      %dma_wait3A_23 = tpu.memref_slice %arg4[%add3A, %dma_wait3A_22] : memref<32x7168xf32, #tpu.memory_space<hbm>> -> memref<1x7168xf32, #tpu.memory_space<hbm>>
      %dma_wait3A_24 = tpu.memref_squeeze %dma_wait3A_23 : memref<1x7168xf32, #tpu.memory_space<hbm>> -> memref<7168xf32, #tpu.memory_space<hbm>>
      tpu.wait_dma2 semaphore(%run_scoped3A : memref<!tpu.dma_semaphore, #tpu.memory_space<semaphore_mem>>) src(%arg7 : memref<7168xf32, #tpu.memory_space<vmem>>) dst(%dma_wait3A_24 : memref<7168xf32, #tpu.memory_space<hbm>>)
      tpu.yield
    }) : () -> ()
    return
  }
}

module attributes {stable_mosaic.version = 14 : i64} {
  func.func @_sums_body(%arg0: i32, %arg1: memref<1024x512xf32, #tpu.memory_space<vmem>>, %arg2: memref<1024x512xf32, #tpu.memory_space<vmem>>, %arg3: memref<1024x512xf32, #tpu.memory_space<vmem>>, %arg4: memref<1x8xf32, #tpu.memory_space<smem>>) attributes {dimension_semantics = [#tpu.dimension_semantics<arbitrary>], iteration_bounds = array<i64: 8>, scalar_prefetch = 0 : i64, scratch_operands = 0 : i64, tpu.core_type = #tpu.core_type<tc>, window_params = [{transform_indices = @transform_0, window_bounds = array<i64: 1024, 512>}, {transform_indices = @transform_1, window_bounds = array<i64: 1024, 512>}, {transform_indices = @transform_2, window_bounds = array<i64: 1024, 512>}, {transform_indices = @transform_3, window_bounds = array<i64: 1, 8>}]} {
    %eq3A = arith.constant 0 : i32
    %eq3A_0 = arith.cmpi eq, %arg0, %eq3A : i32
    %convert_element_type3A = arith.extui %eq3A_0 : i1 to i32
    %cond3A = arith.constant 0 : i32
    %cond3A_1 = arith.cmpi ne, %convert_element_type3A, %cond3A : i32
    scf.if %cond3A_1 {
      %swap3A_70 = arith.constant 0.000000e+00 : f32
      %swap3A_71 = arith.constant 0 : index
      %swap3A_72 = arith.constant 0 : index
      %swap3A_73 = memref.load %arg4[%swap3A_71, %swap3A_72] : memref<1x8xf32, #tpu.memory_space<smem>>
      memref.store %swap3A_70, %arg4[%swap3A_71, %swap3A_72] : memref<1x8xf32, #tpu.memory_space<smem>>
      %swap3A_74 = arith.constant 0.000000e+00 : f32
      %swap3A_75 = arith.constant 0 : index
      %swap3A_76 = arith.constant 1 : index
      %swap3A_77 = memref.load %arg4[%swap3A_75, %swap3A_76] : memref<1x8xf32, #tpu.memory_space<smem>>
      memref.store %swap3A_74, %arg4[%swap3A_75, %swap3A_76] : memref<1x8xf32, #tpu.memory_space<smem>>
      %swap3A_78 = arith.constant 0.000000e+00 : f32
      %swap3A_79 = arith.constant 0 : index
      %swap3A_80 = arith.constant 2 : index
      %swap3A_81 = memref.load %arg4[%swap3A_79, %swap3A_80] : memref<1x8xf32, #tpu.memory_space<smem>>
      memref.store %swap3A_78, %arg4[%swap3A_79, %swap3A_80] : memref<1x8xf32, #tpu.memory_space<smem>>
      %swap3A_82 = arith.constant 0.000000e+00 : f32
      %swap3A_83 = arith.constant 0 : index
      %swap3A_84 = arith.constant 3 : index
      %swap3A_85 = memref.load %arg4[%swap3A_83, %swap3A_84] : memref<1x8xf32, #tpu.memory_space<smem>>
      memref.store %swap3A_82, %arg4[%swap3A_83, %swap3A_84] : memref<1x8xf32, #tpu.memory_space<smem>>
    } else {
    }
    %get3A = arith.constant 0 : index
    %get3A_2 = arith.constant 0 : index
    %get3A_3 = vector.load %arg1[%get3A, %get3A_2] : memref<1024x512xf32, #tpu.memory_space<vmem>>, vector<1024x512xf32>
    %get3A_4 = arith.constant 0 : index
    %get3A_5 = arith.constant 0 : index
    %get3A_6 = vector.load %arg2[%get3A_4, %get3A_5] : memref<1024x512xf32, #tpu.memory_space<vmem>>, vector<1024x512xf32>
    %get3A_7 = arith.constant 0 : index
    %get3A_8 = arith.constant 0 : index
    %get3A_9 = vector.load %arg3[%get3A_7, %get3A_8] : memref<1024x512xf32, #tpu.memory_space<vmem>>, vector<1024x512xf32>
    %sub3A = arith.constant 1.000000e+00 : f32
    %sub3A_10 = vector.broadcast %sub3A : f32 to vector<1024x512xf32>
    %sub3A_11 = arith.subf %sub3A_10, %get3A_3 : vector<1024x512xf32>
    %sub3A_12 = arith.subf %get3A_3, %sub3A_11 : vector<1024x512xf32>
    %mul3A = arith.mulf %get3A_6, %sub3A_12 : vector<1024x512xf32>
    %add3A = arith.addf %sub3A_11, %mul3A : vector<1024x512xf32>
    %log3A = math.log %add3A : vector<1024x512xf32>
    %log3A_13 = arith.constant 2.000000e+00 : f32
    %log3A_14 = math.log %log3A_13 : f32
    %div3A = vector.broadcast %log3A_14 : f32 to vector<1024x512xf32>
    %div3A_15 = arith.divf %log3A, %div3A : vector<1024x512xf32>
    %mul3A_16 = arith.mulf %div3A_15, %get3A_9 : vector<1024x512xf32>
    %get3A_17 = arith.constant 0 : index
    %get3A_18 = arith.constant 0 : index
    %get3A_19 = memref.load %arg4[%get3A_17, %get3A_18] : memref<1x8xf32, #tpu.memory_space<smem>>
    %reduce_sum3A = vector.shape_cast %get3A_9 : vector<1024x512xf32> to vector<1x1024x512xf32>
    %reduce_sum3A_20 = arith.constant dense<0.000000e+00> : vector<1xf32>
    %reduce_sum3A_21 = vector.multi_reduction <add>, %reduce_sum3A, %reduce_sum3A_20 [1, 2] : vector<1x1024x512xf32> to vector<1xf32>
    %reduce_sum3A_22 = vector.shape_cast %reduce_sum3A_21 : vector<1xf32> to vector<1x1x1xf32>
    %reduce_sum3A_23 = vector.extract %reduce_sum3A_22[0, 0, 0] : f32 from vector<1x1x1xf32>
    %add3A_24 = arith.addf %get3A_19, %reduce_sum3A_23 : f32
    %swap3A = arith.constant 0 : index
    %swap3A_25 = arith.constant 0 : index
    %swap3A_26 = memref.load %arg4[%swap3A, %swap3A_25] : memref<1x8xf32, #tpu.memory_space<smem>>
    memref.store %add3A_24, %arg4[%swap3A, %swap3A_25] : memref<1x8xf32, #tpu.memory_space<smem>>
    %get3A_27 = arith.constant 0 : index
    %get3A_28 = arith.constant 1 : index
    %get3A_29 = memref.load %arg4[%get3A_27, %get3A_28] : memref<1x8xf32, #tpu.memory_space<smem>>
    %mul3A_30 = arith.mulf %get3A_9, %get3A_6 : vector<1024x512xf32>
    %reduce_sum3A_31 = vector.shape_cast %mul3A_30 : vector<1024x512xf32> to vector<1x1024x512xf32>
    %reduce_sum3A_32 = arith.constant dense<0.000000e+00> : vector<1xf32>
    %reduce_sum3A_33 = vector.multi_reduction <add>, %reduce_sum3A_31, %reduce_sum3A_32 [1, 2] : vector<1x1024x512xf32> to vector<1xf32>
    %reduce_sum3A_34 = vector.shape_cast %reduce_sum3A_33 : vector<1xf32> to vector<1x1x1xf32>
    %reduce_sum3A_35 = vector.extract %reduce_sum3A_34[0, 0, 0] : f32 from vector<1x1x1xf32>
    %add3A_36 = arith.addf %get3A_29, %reduce_sum3A_35 : f32
    %swap3A_37 = arith.constant 0 : index
    %swap3A_38 = arith.constant 1 : index
    %swap3A_39 = memref.load %arg4[%swap3A_37, %swap3A_38] : memref<1x8xf32, #tpu.memory_space<smem>>
    memref.store %add3A_36, %arg4[%swap3A_37, %swap3A_38] : memref<1x8xf32, #tpu.memory_space<smem>>
    %get3A_40 = arith.constant 0 : index
    %get3A_41 = arith.constant 2 : index
    %get3A_42 = memref.load %arg4[%get3A_40, %get3A_41] : memref<1x8xf32, #tpu.memory_space<smem>>
    %reduce_sum3A_43 = vector.shape_cast %mul3A_16 : vector<1024x512xf32> to vector<1x1024x512xf32>
    %reduce_sum3A_44 = arith.constant dense<0.000000e+00> : vector<1xf32>
    %reduce_sum3A_45 = vector.multi_reduction <add>, %reduce_sum3A_43, %reduce_sum3A_44 [1, 2] : vector<1x1024x512xf32> to vector<1xf32>
    %reduce_sum3A_46 = vector.shape_cast %reduce_sum3A_45 : vector<1xf32> to vector<1x1x1xf32>
    %reduce_sum3A_47 = vector.extract %reduce_sum3A_46[0, 0, 0] : f32 from vector<1x1x1xf32>
    %add3A_48 = arith.addf %get3A_42, %reduce_sum3A_47 : f32
    %swap3A_49 = arith.constant 0 : index
    %swap3A_50 = arith.constant 2 : index
    %swap3A_51 = memref.load %arg4[%swap3A_49, %swap3A_50] : memref<1x8xf32, #tpu.memory_space<smem>>
    memref.store %add3A_48, %arg4[%swap3A_49, %swap3A_50] : memref<1x8xf32, #tpu.memory_space<smem>>
    %get3A_52 = arith.constant 0 : index
    %get3A_53 = arith.constant 3 : index
    %get3A_54 = memref.load %arg4[%get3A_52, %get3A_53] : memref<1x8xf32, #tpu.memory_space<smem>>
    %mul3A_55 = arith.mulf %mul3A_16, %get3A_6 : vector<1024x512xf32>
    %reduce_sum3A_56 = vector.shape_cast %mul3A_55 : vector<1024x512xf32> to vector<1x1024x512xf32>
    %reduce_sum3A_57 = arith.constant dense<0.000000e+00> : vector<1xf32>
    %reduce_sum3A_58 = vector.multi_reduction <add>, %reduce_sum3A_56, %reduce_sum3A_57 [1, 2] : vector<1x1024x512xf32> to vector<1xf32>
    %reduce_sum3A_59 = vector.shape_cast %reduce_sum3A_58 : vector<1xf32> to vector<1x1x1xf32>
    %reduce_sum3A_60 = vector.extract %reduce_sum3A_59[0, 0, 0] : f32 from vector<1x1x1xf32>
    %add3A_61 = arith.addf %get3A_54, %reduce_sum3A_60 : f32
    %swap3A_62 = arith.constant 0 : index
    %swap3A_63 = arith.constant 3 : index
    %swap3A_64 = memref.load %arg4[%swap3A_62, %swap3A_63] : memref<1x8xf32, #tpu.memory_space<smem>>
    memref.store %add3A_61, %arg4[%swap3A_62, %swap3A_63] : memref<1x8xf32, #tpu.memory_space<smem>>
    %eq3A_65 = arith.constant 7 : i32
    %eq3A_66 = arith.cmpi eq, %arg0, %eq3A_65 : i32
    %convert_element_type3A_67 = arith.extui %eq3A_66 : i1 to i32
    %cond3A_68 = arith.constant 0 : i32
    %cond3A_69 = arith.cmpi ne, %convert_element_type3A_67, %cond3A_68 : i32
    scf.if %cond3A_69 {
      %get3A_70 = arith.constant 0 : index
      %get3A_71 = arith.constant 0 : index
      %get3A_72 = memref.load %arg4[%get3A_70, %get3A_71] : memref<1x8xf32, #tpu.memory_space<smem>>
      %get3A_73 = arith.constant 0 : index
      %get3A_74 = arith.constant 1 : index
      %get3A_75 = memref.load %arg4[%get3A_73, %get3A_74] : memref<1x8xf32, #tpu.memory_space<smem>>
      %get3A_76 = arith.constant 0 : index
      %get3A_77 = arith.constant 2 : index
      %get3A_78 = memref.load %arg4[%get3A_76, %get3A_77] : memref<1x8xf32, #tpu.memory_space<smem>>
      %get3A_79 = arith.constant 0 : index
      %get3A_80 = arith.constant 3 : index
      %get3A_81 = memref.load %arg4[%get3A_79, %get3A_80] : memref<1x8xf32, #tpu.memory_space<smem>>
      %sub3A_82 = arith.subf %get3A_72, %get3A_75 : f32
      %mul3A_83 = arith.constant -0.693147182 : f32
      %mul3A_84 = arith.mulf %mul3A_83, %get3A_81 : f32
      %sub3A_85 = arith.subf %get3A_78, %get3A_81 : f32
      %mul3A_86 = arith.constant -0.693147182 : f32
      %mul3A_87 = arith.mulf %mul3A_86, %sub3A_85 : f32
      %mul3A_88 = arith.constant 3.000000e+00 : f32
      %mul3A_89 = arith.mulf %get3A_75, %mul3A_88 : f32
      %floor3A = math.floor %mul3A_89 : f32
      %min3A = arith.minimumf %sub3A_82, %floor3A : f32
      %add3A_90 = arith.addf %mul3A_84, %mul3A_87 : f32
      %add3A_91 = arith.addf %get3A_75, %min3A : f32
      %add3A_92 = arith.constant 9.99999997E-7 : f32
      %add3A_93 = arith.addf %add3A_91, %add3A_92 : f32
      %div3A_94 = arith.divf %add3A_90, %add3A_93 : f32
      %swap3A_95 = arith.constant 0 : index
      %swap3A_96 = arith.constant 0 : index
      %swap3A_97 = memref.load %arg4[%swap3A_95, %swap3A_96] : memref<1x8xf32, #tpu.memory_space<smem>>
      memref.store %div3A_94, %arg4[%swap3A_95, %swap3A_96] : memref<1x8xf32, #tpu.memory_space<smem>>
      %ge3A = arith.cmpf oge, %floor3A, %sub3A_82 : f32
      %jit3A = arith.constant 1.000000e+00 : f32
      %jit3A_98 = arith.constant 0.000000e+00 : f32
      %select_n3A = arith.select %ge3A, %jit3A, %jit3A_98 : f32
      %swap3A_99 = arith.constant 0 : index
      %swap3A_100 = arith.constant 1 : index
      %swap3A_101 = memref.load %arg4[%swap3A_99, %swap3A_100] : memref<1x8xf32, #tpu.memory_space<smem>>
      memref.store %select_n3A, %arg4[%swap3A_99, %swap3A_100] : memref<1x8xf32, #tpu.memory_space<smem>>
      %swap3A_102 = arith.constant 0 : index
      %swap3A_103 = arith.constant 2 : index
      %swap3A_104 = memref.load %arg4[%swap3A_102, %swap3A_103] : memref<1x8xf32, #tpu.memory_space<smem>>
      memref.store %min3A, %arg4[%swap3A_102, %swap3A_103] : memref<1x8xf32, #tpu.memory_space<smem>>
      %swap3A_105 = arith.constant 0 : index
      %swap3A_106 = arith.constant 3 : index
      %swap3A_107 = memref.load %arg4[%swap3A_105, %swap3A_106] : memref<1x8xf32, #tpu.memory_space<smem>>
      memref.store %mul3A_84, %arg4[%swap3A_105, %swap3A_106] : memref<1x8xf32, #tpu.memory_space<smem>>
      %swap3A_108 = arith.constant 0 : index
      %swap3A_109 = arith.constant 4 : index
      %swap3A_110 = memref.load %arg4[%swap3A_108, %swap3A_109] : memref<1x8xf32, #tpu.memory_space<smem>>
      memref.store %get3A_75, %arg4[%swap3A_108, %swap3A_109] : memref<1x8xf32, #tpu.memory_space<smem>>
    } else {
    }
    return
  }
  func.func @transform_0(%arg0: i32) -> (i32, i32) {
    %c0_i32 = arith.constant 0 : i32
    %c0_i32_0 = arith.constant 0 : i32
    return %arg0, %c0_i32 : i32, i32
  }
  func.func @transform_1(%arg0: i32) -> (i32, i32) {
    %c0_i32 = arith.constant 0 : i32
    %c0_i32_0 = arith.constant 0 : i32
    return %arg0, %c0_i32 : i32, i32
  }
  func.func @transform_2(%arg0: i32) -> (i32, i32) {
    %c0_i32 = arith.constant 0 : i32
    %c0_i32_0 = arith.constant 0 : i32
    return %arg0, %c0_i32 : i32, i32
  }
  func.func @transform_3(%arg0: i32) -> (i32, i32) {
    %c0_i32 = arith.constant 0 : i32
    %c0_i32_0 = arith.constant 0 : i32
    %c0_i32_1 = arith.constant 0 : i32
    return %c0_i32, %c0_i32_0 : i32, i32
  }
}

module attributes {stable_mosaic.version = 14 : i64} {
  func.func @_prep_body(%arg0: i32, %arg1: memref<1024x512xf32, #tpu.memory_space<vmem>>, %arg2: memref<1024x512xf32, #tpu.memory_space<vmem>>, %arg3: memref<1024x512xf32, #tpu.memory_space<vmem>>, %arg4: memref<1024x512xf32, #tpu.memory_space<vmem>>) attributes {dimension_semantics = [#tpu.dimension_semantics<arbitrary>], iteration_bounds = array<i64: 8>, scalar_prefetch = 0 : i64, scratch_operands = 0 : i64, tpu.core_type = #tpu.core_type<tc>, window_params = [{transform_indices = @transform_0, window_bounds = array<i64: 1024, 512>}, {transform_indices = @transform_1, window_bounds = array<i64: 1024, 512>}, {transform_indices = @transform_2, window_bounds = array<i64: 1024, 512>}, {transform_indices = @transform_3, window_bounds = array<i64: 1024, 512>}]} {
    %get3A = arith.constant 0 : index
    %get3A_0 = arith.constant 0 : index
    %get3A_1 = vector.load %arg1[%get3A, %get3A_0] : memref<1024x512xf32, #tpu.memory_space<vmem>>, vector<1024x512xf32>
    %get3A_2 = arith.constant 0 : index
    %get3A_3 = arith.constant 0 : index
    %get3A_4 = vector.load %arg2[%get3A_2, %get3A_3] : memref<1024x512xf32, #tpu.memory_space<vmem>>, vector<1024x512xf32>
    %get3A_5 = arith.constant 0 : index
    %get3A_6 = arith.constant 0 : index
    %get3A_7 = vector.load %arg3[%get3A_5, %get3A_6] : memref<1024x512xf32, #tpu.memory_space<vmem>>, vector<1024x512xf32>
    %sub3A = arith.constant 1.000000e+00 : f32
    %sub3A_8 = vector.broadcast %sub3A : f32 to vector<1024x512xf32>
    %sub3A_9 = arith.subf %sub3A_8, %get3A_4 : vector<1024x512xf32>
    %mul3A = arith.mulf %sub3A_9, %get3A_7 : vector<1024x512xf32>
    %gt3A = arith.constant 5.000000e-01 : f32
    %gt3A_10 = vector.broadcast %gt3A : f32 to vector<1024x512xf32>
    %gt3A_11 = arith.cmpf ogt, %mul3A, %gt3A_10 : vector<1024x512xf32>
    %sub3A_12 = arith.constant 1.000000e+00 : f32
    %sub3A_13 = vector.broadcast %sub3A_12 : f32 to vector<1024x512xf32>
    %sub3A_14 = arith.subf %sub3A_13, %get3A_1 : vector<1024x512xf32>
    %jit3A = arith.constant 2.000000e+00 : f32
    %broadcast_in_dim3A = vector.broadcast %jit3A : f32 to vector<1024x512xf32>
    %select_n3A = arith.select %gt3A_11, %sub3A_14, %broadcast_in_dim3A : vector<1024x512xi1>, vector<1024x512xf32>
    %swap3A = arith.constant 0 : index
    %swap3A_15 = arith.constant 0 : index
    %swap3A_16 = vector.load %arg4[%swap3A, %swap3A_15] : memref<1024x512xf32, #tpu.memory_space<vmem>>, vector<1024x512xf32>
    tpu.vector_store %arg4[%swap3A, %swap3A_15], %select_n3A {strides = array<i32>} : memref<1024x512xf32, #tpu.memory_space<vmem>>, vector<1024x512xf32>,
    return
  }
  func.func @transform_0(%arg0: i32) -> (i32, i32) {
    %c0_i32 = arith.constant 0 : i32
    %c0_i32_0 = arith.constant 0 : i32
    return %arg0, %c0_i32 : i32, i32
  }
  func.func @transform_1(%arg0: i32) -> (i32, i32) {
    %c0_i32 = arith.constant 0 : i32
    %c0_i32_0 = arith.constant 0 : i32
    return %arg0, %c0_i32 : i32, i32
  }
  func.func @transform_2(%arg0: i32) -> (i32, i32) {
    %c0_i32 = arith.constant 0 : i32
    %c0_i32_0 = arith.constant 0 : i32
    return %arg0, %c0_i32 : i32, i32
  }
  func.func @transform_3(%arg0: i32) -> (i32, i32) {
    %c0_i32 = arith.constant 0 : i32
    %c0_i32_0 = arith.constant 0 : i32
    return %arg0, %c0_i32 : i32, i32
  }
}

module attributes {stable_mosaic.version = 14 : i64} {
  func.func @_select_body(%arg0: memref<1792x128xf32, #tpu.memory_space<vmem>>, %arg1: memref<1792x128xf32, #tpu.memory_space<vmem>>, %arg2: memref<1x1xf32, #tpu.memory_space<smem>>, %arg3: memref<1x1xf32, #tpu.memory_space<smem>>) attributes {dimension_semantics = [], scalar_prefetch = 0 : i64, scratch_operands = 0 : i64, tpu.core_type = #tpu.core_type<tc>} {
    %broadcast_in_dim3A = arith.constant 0.000000e+00 : f32
    %broadcast_in_dim3A_0 = vector.broadcast %broadcast_in_dim3A : f32 to vector<56x128xf32>
    %broadcast_in_dim3A_1 = arith.constant 0.000000e+00 : f32
    %broadcast_in_dim3A_2 = vector.broadcast %broadcast_in_dim3A_1 : f32 to vector<56x128xf32>
    %get3A = arith.constant 0 : index
    %get3A_3 = arith.constant 0 : index
    %get3A_4 = vector.load %arg0[%get3A, %get3A_3] : memref<1792x128xf32, #tpu.memory_space<vmem>>, vector<56x128xf32>
    %add3A = arith.addf %broadcast_in_dim3A_0, %get3A_4 : vector<56x128xf32>
    %get3A_5 = arith.constant 0 : index
    %get3A_6 = arith.constant 0 : index
    %get3A_7 = vector.load %arg1[%get3A_5, %get3A_6] : memref<1792x128xf32, #tpu.memory_space<vmem>>, vector<56x128xf32>
    %add3A_8 = arith.addf %broadcast_in_dim3A_2, %get3A_7 : vector<56x128xf32>
    %get3A_9 = arith.constant 56 : index
    %get3A_10 = arith.constant 0 : index
    %get3A_11 = vector.load %arg0[%get3A_9, %get3A_10] : memref<1792x128xf32, #tpu.memory_space<vmem>>, vector<56x128xf32>
    %add3A_12 = arith.addf %add3A, %get3A_11 : vector<56x128xf32>
    %get3A_13 = arith.constant 56 : index
    %get3A_14 = arith.constant 0 : index
    %get3A_15 = vector.load %arg1[%get3A_13, %get3A_14] : memref<1792x128xf32, #tpu.memory_space<vmem>>, vector<56x128xf32>
    %add3A_16 = arith.addf %add3A_8, %get3A_15 : vector<56x128xf32>
    %get3A_17 = arith.constant 112 : index
    %get3A_18 = arith.constant 0 : index
    %get3A_19 = vector.load %arg0[%get3A_17, %get3A_18] : memref<1792x128xf32, #tpu.memory_space<vmem>>, vector<56x128xf32>
    %add3A_20 = arith.addf %add3A_12, %get3A_19 : vector<56x128xf32>
    %get3A_21 = arith.constant 112 : index
    %get3A_22 = arith.constant 0 : index
    %get3A_23 = vector.load %arg1[%get3A_21, %get3A_22] : memref<1792x128xf32, #tpu.memory_space<vmem>>, vector<56x128xf32>
    %add3A_24 = arith.addf %add3A_16, %get3A_23 : vector<56x128xf32>
    %get3A_25 = arith.constant 168 : index
    %get3A_26 = arith.constant 0 : index
    %get3A_27 = vector.load %arg0[%get3A_25, %get3A_26] : memref<1792x128xf32, #tpu.memory_space<vmem>>, vector<56x128xf32>
    %add3A_28 = arith.addf %add3A_20, %get3A_27 : vector<56x128xf32>
    %get3A_29 = arith.constant 168 : index
    %get3A_30 = arith.constant 0 : index
    %get3A_31 = vector.load %arg1[%get3A_29, %get3A_30] : memref<1792x128xf32, #tpu.memory_space<vmem>>, vector<56x128xf32>
    %add3A_32 = arith.addf %add3A_24, %get3A_31 : vector<56x128xf32>
    %get3A_33 = arith.constant 224 : index
    %get3A_34 = arith.constant 0 : index
    %get3A_35 = vector.load %arg0[%get3A_33, %get3A_34] : memref<1792x128xf32, #tpu.memory_space<vmem>>, vector<56x128xf32>
    %add3A_36 = arith.addf %add3A_28, %get3A_35 : vector<56x128xf32>
    %get3A_37 = arith.constant 224 : index
    %get3A_38 = arith.constant 0 : index
    %get3A_39 = vector.load %arg1[%get3A_37, %get3A_38] : memref<1792x128xf32, #tpu.memory_space<vmem>>, vector<56x128xf32>
    %add3A_40 = arith.addf %add3A_32, %get3A_39 : vector<56x128xf32>
    %get3A_41 = arith.constant 280 : index
    %get3A_42 = arith.constant 0 : index
    %get3A_43 = vector.load %arg0[%get3A_41, %get3A_42] : memref<1792x128xf32, #tpu.memory_space<vmem>>, vector<56x128xf32>
    %add3A_44 = arith.addf %add3A_36, %get3A_43 : vector<56x128xf32>
    %get3A_45 = arith.constant 280 : index
    %get3A_46 = arith.constant 0 : index
    %get3A_47 = vector.load %arg1[%get3A_45, %get3A_46] : memref<1792x128xf32, #tpu.memory_space<vmem>>, vector<56x128xf32>
    %add3A_48 = arith.addf %add3A_40, %get3A_47 : vector<56x128xf32>
    %get3A_49 = arith.constant 336 : index
    %get3A_50 = arith.constant 0 : index
    %get3A_51 = vector.load %arg0[%get3A_49, %get3A_50] : memref<1792x128xf32, #tpu.memory_space<vmem>>, vector<56x128xf32>
    %add3A_52 = arith.addf %add3A_44, %get3A_51 : vector<56x128xf32>
    %get3A_53 = arith.constant 336 : index
    %get3A_54 = arith.constant 0 : index
    %get3A_55 = vector.load %arg1[%get3A_53, %get3A_54] : memref<1792x128xf32, #tpu.memory_space<vmem>>, vector<56x128xf32>
    %add3A_56 = arith.addf %add3A_48, %get3A_55 : vector<56x128xf32>
    %get3A_57 = arith.constant 392 : index
    %get3A_58 = arith.constant 0 : index
    %get3A_59 = vector.load %arg0[%get3A_57, %get3A_58] : memref<1792x128xf32, #tpu.memory_space<vmem>>, vector<56x128xf32>
    %add3A_60 = arith.addf %add3A_52, %get3A_59 : vector<56x128xf32>
    %get3A_61 = arith.constant 392 : index
    %get3A_62 = arith.constant 0 : index
    %get3A_63 = vector.load %arg1[%get3A_61, %get3A_62] : memref<1792x128xf32, #tpu.memory_space<vmem>>, vector<56x128xf32>
    %add3A_64 = arith.addf %add3A_56, %get3A_63 : vector<56x128xf32>
    %get3A_65 = arith.constant 448 : index
    %get3A_66 = arith.constant 0 : index
    %get3A_67 = vector.load %arg0[%get3A_65, %get3A_66] : memref<1792x128xf32, #tpu.memory_space<vmem>>, vector<56x128xf32>
    %add3A_68 = arith.addf %add3A_60, %get3A_67 : vector<56x128xf32>
    %get3A_69 = arith.constant 448 : index
    %get3A_70 = arith.constant 0 : index
    %get3A_71 = vector.load %arg1[%get3A_69, %get3A_70] : memref<1792x128xf32, #tpu.memory_space<vmem>>, vector<56x128xf32>
    %add3A_72 = arith.addf %add3A_64, %get3A_71 : vector<56x128xf32>
    %get3A_73 = arith.constant 504 : index
    %get3A_74 = arith.constant 0 : index
    %get3A_75 = vector.load %arg0[%get3A_73, %get3A_74] : memref<1792x128xf32, #tpu.memory_space<vmem>>, vector<56x128xf32>
    %add3A_76 = arith.addf %add3A_68, %get3A_75 : vector<56x128xf32>
    %get3A_77 = arith.constant 504 : index
    %get3A_78 = arith.constant 0 : index
    %get3A_79 = vector.load %arg1[%get3A_77, %get3A_78] : memref<1792x128xf32, #tpu.memory_space<vmem>>, vector<56x128xf32>
    %add3A_80 = arith.addf %add3A_72, %get3A_79 : vector<56x128xf32>
    %get3A_81 = arith.constant 560 : index
    %get3A_82 = arith.constant 0 : index
    %get3A_83 = vector.load %arg0[%get3A_81, %get3A_82] : memref<1792x128xf32, #tpu.memory_space<vmem>>, vector<56x128xf32>
    %add3A_84 = arith.addf %add3A_76, %get3A_83 : vector<56x128xf32>
    %get3A_85 = arith.constant 560 : index
    %get3A_86 = arith.constant 0 : index
    %get3A_87 = vector.load %arg1[%get3A_85, %get3A_86] : memref<1792x128xf32, #tpu.memory_space<vmem>>, vector<56x128xf32>
    %add3A_88 = arith.addf %add3A_80, %get3A_87 : vector<56x128xf32>
    %get3A_89 = arith.constant 616 : index
    %get3A_90 = arith.constant 0 : index
    %get3A_91 = vector.load %arg0[%get3A_89, %get3A_90] : memref<1792x128xf32, #tpu.memory_space<vmem>>, vector<56x128xf32>
    %add3A_92 = arith.addf %add3A_84, %get3A_91 : vector<56x128xf32>
    %get3A_93 = arith.constant 616 : index
    %get3A_94 = arith.constant 0 : index
    %get3A_95 = vector.load %arg1[%get3A_93, %get3A_94] : memref<1792x128xf32, #tpu.memory_space<vmem>>, vector<56x128xf32>
    %add3A_96 = arith.addf %add3A_88, %get3A_95 : vector<56x128xf32>
    %get3A_97 = arith.constant 672 : index
    %get3A_98 = arith.constant 0 : index
    %get3A_99 = vector.load %arg0[%get3A_97, %get3A_98] : memref<1792x128xf32, #tpu.memory_space<vmem>>, vector<56x128xf32>
    %add3A_100 = arith.addf %add3A_92, %get3A_99 : vector<56x128xf32>
    %get3A_101 = arith.constant 672 : index
    %get3A_102 = arith.constant 0 : index
    %get3A_103 = vector.load %arg1[%get3A_101, %get3A_102] : memref<1792x128xf32, #tpu.memory_space<vmem>>, vector<56x128xf32>
    %add3A_104 = arith.addf %add3A_96, %get3A_103 : vector<56x128xf32>
    %get3A_105 = arith.constant 728 : index
    %get3A_106 = arith.constant 0 : index
    %get3A_107 = vector.load %arg0[%get3A_105, %get3A_106] : memref<1792x128xf32, #tpu.memory_space<vmem>>, vector<56x128xf32>
    %add3A_108 = arith.addf %add3A_100, %get3A_107 : vector<56x128xf32>
    %get3A_109 = arith.constant 728 : index
    %get3A_110 = arith.constant 0 : index
    %get3A_111 = vector.load %arg1[%get3A_109, %get3A_110] : memref<1792x128xf32, #tpu.memory_space<vmem>>, vector<56x128xf32>
    %add3A_112 = arith.addf %add3A_104, %get3A_111 : vector<56x128xf32>
    %get3A_113 = arith.constant 784 : index
    %get3A_114 = arith.constant 0 : index
    %get3A_115 = vector.load %arg0[%get3A_113, %get3A_114] : memref<1792x128xf32, #tpu.memory_space<vmem>>, vector<56x128xf32>
    %add3A_116 = arith.addf %add3A_108, %get3A_115 : vector<56x128xf32>
    %get3A_117 = arith.constant 784 : index
    %get3A_118 = arith.constant 0 : index
    %get3A_119 = vector.load %arg1[%get3A_117, %get3A_118] : memref<1792x128xf32, #tpu.memory_space<vmem>>, vector<56x128xf32>
    %add3A_120 = arith.addf %add3A_112, %get3A_119 : vector<56x128xf32>
    %get3A_121 = arith.constant 840 : index
    %get3A_122 = arith.constant 0 : index
    %get3A_123 = vector.load %arg0[%get3A_121, %get3A_122] : memref<1792x128xf32, #tpu.memory_space<vmem>>, vector<56x128xf32>
    %add3A_124 = arith.addf %add3A_116, %get3A_123 : vector<56x128xf32>
    %get3A_125 = arith.constant 840 : index
    %get3A_126 = arith.constant 0 : index
    %get3A_127 = vector.load %arg1[%get3A_125, %get3A_126] : memref<1792x128xf32, #tpu.memory_space<vmem>>, vector<56x128xf32>
    %add3A_128 = arith.addf %add3A_120, %get3A_127 : vector<56x128xf32>
    %get3A_129 = arith.constant 896 : index
    %get3A_130 = arith.constant 0 : index
    %get3A_131 = vector.load %arg0[%get3A_129, %get3A_130] : memref<1792x128xf32, #tpu.memory_space<vmem>>, vector<56x128xf32>
    %add3A_132 = arith.addf %add3A_124, %get3A_131 : vector<56x128xf32>
    %get3A_133 = arith.constant 896 : index
    %get3A_134 = arith.constant 0 : index
    %get3A_135 = vector.load %arg1[%get3A_133, %get3A_134] : memref<1792x128xf32, #tpu.memory_space<vmem>>, vector<56x128xf32>
    %add3A_136 = arith.addf %add3A_128, %get3A_135 : vector<56x128xf32>
    %get3A_137 = arith.constant 952 : index
    %get3A_138 = arith.constant 0 : index
    %get3A_139 = vector.load %arg0[%get3A_137, %get3A_138] : memref<1792x128xf32, #tpu.memory_space<vmem>>, vector<56x128xf32>
    %add3A_140 = arith.addf %add3A_132, %get3A_139 : vector<56x128xf32>
    %get3A_141 = arith.constant 952 : index
    %get3A_142 = arith.constant 0 : index
    %get3A_143 = vector.load %arg1[%get3A_141, %get3A_142] : memref<1792x128xf32, #tpu.memory_space<vmem>>, vector<56x128xf32>
    %add3A_144 = arith.addf %add3A_136, %get3A_143 : vector<56x128xf32>
    %get3A_145 = arith.constant 1008 : index
    %get3A_146 = arith.constant 0 : index
    %get3A_147 = vector.load %arg0[%get3A_145, %get3A_146] : memref<1792x128xf32, #tpu.memory_space<vmem>>, vector<56x128xf32>
    %add3A_148 = arith.addf %add3A_140, %get3A_147 : vector<56x128xf32>
    %get3A_149 = arith.constant 1008 : index
    %get3A_150 = arith.constant 0 : index
    %get3A_151 = vector.load %arg1[%get3A_149, %get3A_150] : memref<1792x128xf32, #tpu.memory_space<vmem>>, vector<56x128xf32>
    %add3A_152 = arith.addf %add3A_144, %get3A_151 : vector<56x128xf32>
    %get3A_153 = arith.constant 1064 : index
    %get3A_154 = arith.constant 0 : index
    %get3A_155 = vector.load %arg0[%get3A_153, %get3A_154] : memref<1792x128xf32, #tpu.memory_space<vmem>>, vector<56x128xf32>
    %add3A_156 = arith.addf %add3A_148, %get3A_155 : vector<56x128xf32>
    %get3A_157 = arith.constant 1064 : index
    %get3A_158 = arith.constant 0 : index
    %get3A_159 = vector.load %arg1[%get3A_157, %get3A_158] : memref<1792x128xf32, #tpu.memory_space<vmem>>, vector<56x128xf32>
    %add3A_160 = arith.addf %add3A_152, %get3A_159 : vector<56x128xf32>
    %get3A_161 = arith.constant 1120 : index
    %get3A_162 = arith.constant 0 : index
    %get3A_163 = vector.load %arg0[%get3A_161, %get3A_162] : memref<1792x128xf32, #tpu.memory_space<vmem>>, vector<56x128xf32>
    %add3A_164 = arith.addf %add3A_156, %get3A_163 : vector<56x128xf32>
    %get3A_165 = arith.constant 1120 : index
    %get3A_166 = arith.constant 0 : index
    %get3A_167 = vector.load %arg1[%get3A_165, %get3A_166] : memref<1792x128xf32, #tpu.memory_space<vmem>>, vector<56x128xf32>
    %add3A_168 = arith.addf %add3A_160, %get3A_167 : vector<56x128xf32>
    %get3A_169 = arith.constant 1176 : index
    %get3A_170 = arith.constant 0 : index
    %get3A_171 = vector.load %arg0[%get3A_169, %get3A_170] : memref<1792x128xf32, #tpu.memory_space<vmem>>, vector<56x128xf32>
    %add3A_172 = arith.addf %add3A_164, %get3A_171 : vector<56x128xf32>
    %get3A_173 = arith.constant 1176 : index
    %get3A_174 = arith.constant 0 : index
    %get3A_175 = vector.load %arg1[%get3A_173, %get3A_174] : memref<1792x128xf32, #tpu.memory_space<vmem>>, vector<56x128xf32>
    %add3A_176 = arith.addf %add3A_168, %get3A_175 : vector<56x128xf32>
    %get3A_177 = arith.constant 1232 : index
    %get3A_178 = arith.constant 0 : index
    %get3A_179 = vector.load %arg0[%get3A_177, %get3A_178] : memref<1792x128xf32, #tpu.memory_space<vmem>>, vector<56x128xf32>
    %add3A_180 = arith.addf %add3A_172, %get3A_179 : vector<56x128xf32>
    %get3A_181 = arith.constant 1232 : index
    %get3A_182 = arith.constant 0 : index
    %get3A_183 = vector.load %arg1[%get3A_181, %get3A_182] : memref<1792x128xf32, #tpu.memory_space<vmem>>, vector<56x128xf32>
    %add3A_184 = arith.addf %add3A_176, %get3A_183 : vector<56x128xf32>
    %get3A_185 = arith.constant 1288 : index
    %get3A_186 = arith.constant 0 : index
    %get3A_187 = vector.load %arg0[%get3A_185, %get3A_186] : memref<1792x128xf32, #tpu.memory_space<vmem>>, vector<56x128xf32>
    %add3A_188 = arith.addf %add3A_180, %get3A_187 : vector<56x128xf32>
    %get3A_189 = arith.constant 1288 : index
    %get3A_190 = arith.constant 0 : index
    %get3A_191 = vector.load %arg1[%get3A_189, %get3A_190] : memref<1792x128xf32, #tpu.memory_space<vmem>>, vector<56x128xf32>
    %add3A_192 = arith.addf %add3A_184, %get3A_191 : vector<56x128xf32>
    %get3A_193 = arith.constant 1344 : index
    %get3A_194 = arith.constant 0 : index
    %get3A_195 = vector.load %arg0[%get3A_193, %get3A_194] : memref<1792x128xf32, #tpu.memory_space<vmem>>, vector<56x128xf32>
    %add3A_196 = arith.addf %add3A_188, %get3A_195 : vector<56x128xf32>
    %get3A_197 = arith.constant 1344 : index
    %get3A_198 = arith.constant 0 : index
    %get3A_199 = vector.load %arg1[%get3A_197, %get3A_198] : memref<1792x128xf32, #tpu.memory_space<vmem>>, vector<56x128xf32>
    %add3A_200 = arith.addf %add3A_192, %get3A_199 : vector<56x128xf32>
    %get3A_201 = arith.constant 1400 : index
    %get3A_202 = arith.constant 0 : index
    %get3A_203 = vector.load %arg0[%get3A_201, %get3A_202] : memref<1792x128xf32, #tpu.memory_space<vmem>>, vector<56x128xf32>
    %add3A_204 = arith.addf %add3A_196, %get3A_203 : vector<56x128xf32>
    %get3A_205 = arith.constant 1400 : index
    %get3A_206 = arith.constant 0 : index
    %get3A_207 = vector.load %arg1[%get3A_205, %get3A_206] : memref<1792x128xf32, #tpu.memory_space<vmem>>, vector<56x128xf32>
    %add3A_208 = arith.addf %add3A_200, %get3A_207 : vector<56x128xf32>
    %get3A_209 = arith.constant 1456 : index
    %get3A_210 = arith.constant 0 : index
    %get3A_211 = vector.load %arg0[%get3A_209, %get3A_210] : memref<1792x128xf32, #tpu.memory_space<vmem>>, vector<56x128xf32>
    %add3A_212 = arith.addf %add3A_204, %get3A_211 : vector<56x128xf32>
    %get3A_213 = arith.constant 1456 : index
    %get3A_214 = arith.constant 0 : index
    %get3A_215 = vector.load %arg1[%get3A_213, %get3A_214] : memref<1792x128xf32, #tpu.memory_space<vmem>>, vector<56x128xf32>
    %add3A_216 = arith.addf %add3A_208, %get3A_215 : vector<56x128xf32>
    %get3A_217 = arith.constant 1512 : index
    %get3A_218 = arith.constant 0 : index
    %get3A_219 = vector.load %arg0[%get3A_217, %get3A_218] : memref<1792x128xf32, #tpu.memory_space<vmem>>, vector<56x128xf32>
    %add3A_220 = arith.addf %add3A_212, %get3A_219 : vector<56x128xf32>
    %get3A_221 = arith.constant 1512 : index
    %get3A_222 = arith.constant 0 : index
    %get3A_223 = vector.load %arg1[%get3A_221, %get3A_222] : memref<1792x128xf32, #tpu.memory_space<vmem>>, vector<56x128xf32>
    %add3A_224 = arith.addf %add3A_216, %get3A_223 : vector<56x128xf32>
    %get3A_225 = arith.constant 1568 : index
    %get3A_226 = arith.constant 0 : index
    %get3A_227 = vector.load %arg0[%get3A_225, %get3A_226] : memref<1792x128xf32, #tpu.memory_space<vmem>>, vector<56x128xf32>
    %add3A_228 = arith.addf %add3A_220, %get3A_227 : vector<56x128xf32>
    %get3A_229 = arith.constant 1568 : index
    %get3A_230 = arith.constant 0 : index
    %get3A_231 = vector.load %arg1[%get3A_229, %get3A_230] : memref<1792x128xf32, #tpu.memory_space<vmem>>, vector<56x128xf32>
    %add3A_232 = arith.addf %add3A_224, %get3A_231 : vector<56x128xf32>
    %get3A_233 = arith.constant 1624 : index
    %get3A_234 = arith.constant 0 : index
    %get3A_235 = vector.load %arg0[%get3A_233, %get3A_234] : memref<1792x128xf32, #tpu.memory_space<vmem>>, vector<56x128xf32>
    %add3A_236 = arith.addf %add3A_228, %get3A_235 : vector<56x128xf32>
    %get3A_237 = arith.constant 1624 : index
    %get3A_238 = arith.constant 0 : index
    %get3A_239 = vector.load %arg1[%get3A_237, %get3A_238] : memref<1792x128xf32, #tpu.memory_space<vmem>>, vector<56x128xf32>
    %add3A_240 = arith.addf %add3A_232, %get3A_239 : vector<56x128xf32>
    %get3A_241 = arith.constant 1680 : index
    %get3A_242 = arith.constant 0 : index
    %get3A_243 = vector.load %arg0[%get3A_241, %get3A_242] : memref<1792x128xf32, #tpu.memory_space<vmem>>, vector<56x128xf32>
    %add3A_244 = arith.addf %add3A_236, %get3A_243 : vector<56x128xf32>
    %get3A_245 = arith.constant 1680 : index
    %get3A_246 = arith.constant 0 : index
    %get3A_247 = vector.load %arg1[%get3A_245, %get3A_246] : memref<1792x128xf32, #tpu.memory_space<vmem>>, vector<56x128xf32>
    %add3A_248 = arith.addf %add3A_240, %get3A_247 : vector<56x128xf32>
    %get3A_249 = arith.constant 1736 : index
    %get3A_250 = arith.constant 0 : index
    %get3A_251 = vector.load %arg0[%get3A_249, %get3A_250] : memref<1792x128xf32, #tpu.memory_space<vmem>>, vector<56x128xf32>
    %add3A_252 = arith.addf %add3A_244, %get3A_251 : vector<56x128xf32>
    %get3A_253 = arith.constant 1736 : index
    %get3A_254 = arith.constant 0 : index
    %get3A_255 = vector.load %arg1[%get3A_253, %get3A_254] : memref<1792x128xf32, #tpu.memory_space<vmem>>, vector<56x128xf32>
    %add3A_256 = arith.addf %add3A_248, %get3A_255 : vector<56x128xf32>
    %get3A_257 = arith.constant 0 : index
    %get3A_258 = arith.constant 0 : index
    %get3A_259 = memref.load %arg2[%get3A_257, %get3A_258] : memref<1x1xf32, #tpu.memory_space<smem>>
    %iota3A = tpu.iota {dimensions = array<i32: 0>} : vector<128x128xi32>
    %iota3A_260 = tpu.iota {dimensions = array<i32: 1>} : vector<128x128xi32>
    %le3A = arith.cmpi sle, %iota3A, %iota3A_260 : vector<128x128xi32>
    %convert_element_type3A = arith.extui %le3A : vector<128x128xi1> to vector<128x128xi32>
    %convert_element_type3A_261 = arith.sitofp %convert_element_type3A : vector<128x128xi32> to vector<128x128xf32>
    %dot_general3A = arith.constant dense<0.000000e+00> : vector<56x128xf32>
    %dot_general3A_262 = tpu.matmul %add3A_252, %convert_element_type3A_261, %dot_general3A {dimension_numbers = #tpu.dot_dimension_numbers<[1], [0], [0], [1], [0, 0, 1, 1], [], []>, transpose_lhs_hint = false} : vector<56x128xf32>, vector<128x128xf32>, vector<56x128xf32> -> vector<56x128xf32>
    %slice3A = vector.extract_strided_slice %dot_general3A_262 {offsets = [0, 127], sizes = [56, 1], strides = [1, 1]} : vector<56x128xf32> to vector<56x1xf32>
    %iota3A_263 = tpu.iota {dimensions = array<i32: 1>} : vector<56x56xi32>
    %iota3A_264 = tpu.iota {dimensions = array<i32: 0>} : vector<56x56xi32>
    %lt3A = arith.cmpi slt, %iota3A_263, %iota3A_264 : vector<56x56xi32>
    %convert_element_type3A_265 = arith.extui %lt3A : vector<56x56xi1> to vector<56x56xi32>
    %convert_element_type3A_266 = arith.sitofp %convert_element_type3A_265 : vector<56x56xi32> to vector<56x56xf32>
    %dot_general3A_267 = arith.constant dense<0.000000e+00> : vector<56x1xf32>
    %dot_general3A_268 = tpu.matmul %convert_element_type3A_266, %slice3A, %dot_general3A_267 {dimension_numbers = #tpu.dot_dimension_numbers<[1], [0], [0], [1], [0, 0, 1, 1], [], []>, transpose_lhs_hint = false} : vector<56x56xf32>, vector<56x1xf32>, vector<56x1xf32> -> vector<56x1xf32>
    %add3A_269 = vector.broadcast %dot_general3A_268 : vector<56x1xf32> to vector<56x128xf32>
    %add3A_270 = arith.addf %add3A_269, %dot_general3A_262 : vector<56x128xf32>
    %sub3A = arith.subf %add3A_270, %add3A_252 : vector<56x128xf32>
    %sub3A_271 = vector.broadcast %get3A_259 : f32 to vector<56x128xf32>
    %sub3A_272 = arith.subf %sub3A_271, %sub3A : vector<56x128xf32>
    %jit3A = arith.constant 0.000000e+00 : f32
    %max3A = vector.broadcast %jit3A : f32 to vector<56x128xf32>
    %max3A_273 = arith.maximumf %max3A, %sub3A_272 : vector<56x128xf32>
    %min3A = arith.minimumf %add3A_252, %max3A_273 : vector<56x128xf32>
    %max3A_274 = arith.constant 1.000000e-30 : f32
    %max3A_275 = vector.broadcast %max3A_274 : f32 to vector<56x128xf32>
    %max3A_276 = arith.maximumf %add3A_256, %max3A_275 : vector<56x128xf32>
    %max3A_277 = arith.constant 1.000000e+00 : f32
    %max3A_278 = vector.broadcast %max3A_277 : f32 to vector<56x128xf32>
    %max3A_279 = arith.maximumf %add3A_252, %max3A_278 : vector<56x128xf32>
    %div3A = arith.divf %max3A_276, %max3A_279 : vector<56x128xf32>
    %log3A = math.log %div3A : vector<56x128xf32>
    %neg3A = arith.constant 0.000000e+00 : f32
    %neg3A_280 = vector.broadcast %neg3A : f32 to vector<56x128xf32>
    %neg3A_281 = arith.subf %neg3A_280, %log3A : vector<56x128xf32>
    %gt3A = arith.constant 0.000000e+00 : f32
    %gt3A_282 = vector.broadcast %gt3A : f32 to vector<56x128xf32>
    %gt3A_283 = arith.cmpf ogt, %add3A_252, %gt3A_282 : vector<56x128xf32>
    %jit3A_284 = arith.constant 0.000000e+00 : f32
    %broadcast_in_dim3A_285 = vector.broadcast %jit3A_284 : f32 to vector<56x128xf32>
    %select_n3A = arith.select %gt3A_283, %neg3A_281, %broadcast_in_dim3A_285 : vector<56x128xi1>, vector<56x128xf32>
    %mul3A = arith.mulf %min3A, %select_n3A : vector<56x128xf32>
    %reduce_sum3A = vector.shape_cast %mul3A : vector<56x128xf32> to vector<1x56x128xf32>
    %reduce_sum3A_286 = arith.constant dense<0.000000e+00> : vector<1xf32>
    %reduce_sum3A_287 = vector.multi_reduction <add>, %reduce_sum3A, %reduce_sum3A_286 [1, 2] : vector<1x56x128xf32> to vector<1xf32>
    %reduce_sum3A_288 = vector.shape_cast %reduce_sum3A_287 : vector<1xf32> to vector<1x1x1xf32>
    %reduce_sum3A_289 = vector.extract %reduce_sum3A_288[0, 0, 0] : f32 from vector<1x1x1xf32>
    %swap3A = arith.constant 0 : index
    %swap3A_290 = arith.constant 0 : index
    %swap3A_291 = memref.load %arg3[%swap3A, %swap3A_290] : memref<1x1xf32, #tpu.memory_space<smem>>
    memref.store %reduce_sum3A_289, %arg3[%swap3A, %swap3A_290] : memref<1x1xf32, #tpu.memory_space<smem>>
    return
  }
}

</mosaic_0001>

<sc_bundles>
// kernel: branch_0_fun.8.cloned.1.call-start
scs
__scs_entry_jumppad:
0x0: {  	(pc) =	sbr.rel $0x88, $3  }
0x1: {  	(tag) =	ssettag $0x0;
	lr =	simm.s32 $0x1  }
0x2: {  	[smem:$0x3F9E] =	sst lr;
	_ =	strace $0xD0000000  }
0x3: {  	_ = 	snop  }
0x4: {  	_ = 	snop  }
0x5: {  	_ = 	snop  }
0x6: {  	_ = 	snop  }
0x7: {  	_ = 	snop  }
__scs_overlays_trampoline_lowered:
0x8: {  	[smem:$0x3FAD] =	sst s0  }
0x9: {  	[smem:$0x3FAE] =	sst s1  }
0xa: {  	[smem:$0x3FAF] =	sst s2  }
0xb: {  	[smem:$0x3FB0] =	sst s3  }
0xc: {  	[smem:$0x3FB1] =	sst s4  }
0xd: {  	[smem:$0x3FB2] =	sst s5  }
0xe: {  	[smem:$0x3FB3] =	sst s6  }
0xf: {  	[smem:$0x3FB4] =	sst s7  }
0x10: {  	[smem:$0x3FB5] =	sst s8  }
0x11: {  	[smem:$0x3FB6] =	sst s9;
	s0 =	simm.s32 @!p0 $0x0  }
0x12: {  	s1 =	sld [smem:$0x3F9C];
	s0 =	simm.s32 @p0 $0x1  }
0x13: {  	[smem:$0x3FB7] =	sst s0;
	s0 =	simm.s32 @!p1 $0x0  }
0x14: {  	s2 =	sld [smem:$0x3F9B];
	s0 =	simm.s32 @p1 $0x1  }
0x15: {  	[smem:$0x3FB8] =	sst s0;
	s0 =	simm.s32 @!p2 $0x0  }
0x16: {  	s3 =	sld [smem:$0x3FDB];
	s0 =	simm.s32 @p2 $0x1  }
0x17: {  	s4 =	simm.s32 $0x1BF5;
	[smem:$0x3FBA] =	sst s0  }
0x18: {  	s0 =	sld [smem:$0x3F9D];
	_ =	swait.ge [sflag:s4], $0x0  }
0x19: {  	s7 =	sld [smem:$0x3F9E]  }
0x1a: {  	s8 =	sadd.s32 $0xFFFFE003, lr  }
0x1b: {  	s9 =	sadd.s32 $0xFFFFFEF7, lr;
	s5 =	simm.s32 $0xFFFFFFFF;
	p2 =	slt.u32 s8, $0xFFFFF086  }
0x1c: {  	p1 =	slt.u32 s9, $0xF7A;
	s5 =	simm.s32 @!p2 $0x0  }
0x1d: {  	s5 =	simm.s32 @p1 $0x1;
	p0 =	seq.s32 s7, s2  }
0x1e: {  	s7 =	smul.u32 @!p0 $0xF7A, s2;
	p2 =	seq.s32 @!p0 s5, $0x0  }
0x1f: {  	s9 =	smul.u32 $0xF7A, s1;
	s8 =	simm.s32 @!p0 $0x1BF5;
	p2 =	por !p2, p0  }
0x20: {  	[sflag:s8] =	ssyncset.s32 @!p0 $0xFFFFF086;
	s6 =	sadd.s32 @!p0 s3, s7;
	s7 =	simm.s32 @!p0 $0x108  }
0x21: {  	s3 =	sadd.s32 s3, s9;
	s6 =	sadd.s32 @!p0 $0x88, s6;
	s7 =	simm.s32 @p2 $0x1082  }
0x22: {  	[simem:s7], [sflag:s8] =	dma.local @!p0 [hbm:s6], $0xF7A  }
0x23: {  	s9 =	sor.u32 $0xD0000000, s2;
	s6 =	simm.s32 $0x108;
	_ =	swait.ge @!p0 [sflag:s8], $0x0  }
0x24: {  	s3 =	sadd.s32 $0x88, s3;
	s6 =	simm.s32 @!p1 $0x1082;
	[sflag:s4] =	ssyncset.s32 $0xFFFFF086  }
0x25: {  	[simem:s6], [sflag:s4] =	dma.local [hbm:s3], $0xF7A  }
0x26: {  	[smem:$0x3F9E] =	sst s1;
	(tag) =	ssettag s2;
	_ =	strace s9  }
0x27: {  	s1 =	sld [smem:$0x3FAE]  }
0x28: {  	s2 =	sld [smem:$0x3FAF]  }
0x29: {  	s4 =	sld [smem:$0x3FB1]  }
0x2a: {  	p0 =	seq.s32 s5, $0x0;
	s5 =	sld [smem:$0x3FB2]  }
0x2b: {  	s6 =	sld [smem:$0x3FB3]  }
0x2c: {  	s7 =	sld [smem:$0x3FB4]  }
0x2d: {  	s3 =	simm.s32 $0x108;
	s8 =	sld [smem:$0x3FB5]  }
0x2e: {  	s3 =	simm.s32 @!p0 $0x1082;
	s9 =	sld [smem:$0x3FB6]  }
0x2f: {  	lr =	sadd.s32 s0, s3;
	s0 =	sld [smem:$0x3FAD]  }
0x30: {  	s3 =	sld [smem:$0x3FB0]  }
0x31: {  	[smem:$0x3FB9] =	sst s10  }
0x32: {  	s10 =	sld [smem:$0x3FB7];
	_ =	sdelay $0x3  }
0x33: {  	p0 =	seq.s32 s10, $0x1;
	s10 =	sld [smem:$0x3FB9];
	_ =	sdelay $0x3  }
0x34: {  	[smem:$0x3FB9] =	sst s10  }
0x35: {  	s10 =	sld [smem:$0x3FB8];
	_ =	sdelay $0x3  }
0x36: {  	p1 =	seq.s32 s10, $0x1;
	s10 =	sld [smem:$0x3FB9];
	_ =	sdelay $0x3  }
0x37: {  	[smem:$0x3FB9] =	sst s10  }
0x38: {  	s10 =	sld [smem:$0x3FBA]  }
0x39: {  	_ = 	snop;
	(pc) =	sbr.ind lr, $3  }
0x3a: {  	_ = 	snop  }
0x3b: {  	_ = 	snop  }
0x3c: {  	p2 =	seq.s32 s10, $0x1;
	s10 =	sld [smem:$0x3FB9]  }
0x3d: {  	_ =	shalt  }
0x3e: {  	_ =	shalt  }
0x3f: {  	_ =	shalt  }
0x40: {  	_ =	shalt  }
0x41: {  	_ =	shalt  }
0x42: {  	_ =	shalt  }
0x43: {  	_ =	shalt  }
0x44: {  	_ =	shalt  }
0x45: {  	_ =	shalt  }
0x46: {  	_ =	shalt  }
0x47: {  	_ =	shalt  }
0x48: {  	_ =	shalt  }
0x49: {  	_ =	shalt  }
0x4a: {  	_ =	shalt  }
0x4b: {  	_ =	shalt  }
0x4c: {  	_ =	shalt  }
0x4d: {  	_ =	shalt  }
0x4e: {  	_ =	shalt  }
0x4f: {  	_ =	shalt  }
0x50: {  	_ =	shalt  }
0x51: {  	_ =	shalt  }
0x52: {  	_ =	shalt  }
0x53: {  	_ =	shalt  }
0x54: {  	_ =	shalt  }
0x55: {  	_ =	shalt  }
0x56: {  	_ =	shalt  }
0x57: {  	_ =	shalt  }
0x58: {  	_ =	shalt  }
0x59: {  	_ =	shalt  }
0x5a: {  	_ =	shalt  }
0x5b: {  	_ =	shalt  }
0x5c: {  	_ =	shalt  }
0x5d: {  	_ =	shalt  }
0x5e: {  	_ =	shalt  }
0x5f: {  	_ =	shalt  }
0x60: {  	_ =	shalt  }
0x61: {  	_ =	shalt  }
0x62: {  	_ =	shalt  }
0x63: {  	_ =	shalt  }
0x64: {  	_ =	shalt  }
0x65: {  	_ =	shalt  }
0x66: {  	_ =	shalt  }
0x67: {  	_ =	shalt  }
0x68: {  	_ =	shalt  }
0x69: {  	_ =	shalt  }
0x6a: {  	_ =	shalt  }
0x6b: {  	_ =	shalt  }
0x6c: {  	_ =	shalt  }
0x6d: {  	_ =	shalt  }
0x6e: {  	_ =	shalt  }
0x6f: {  	_ =	shalt  }
0x70: {  	_ =	shalt  }
0x71: {  	_ =	shalt  }
0x72: {  	_ =	shalt  }
0x73: {  	_ =	shalt  }
0x74: {  	_ =	shalt  }
0x75: {  	_ =	shalt  }
0x76: {  	_ =	shalt  }
0x77: {  	_ =	shalt  }
0x78: {  	_ =	shalt  }
0x79: {  	_ =	shalt  }
0x7a: {  	_ =	shalt  }
0x7b: {  	_ =	shalt  }
0x7c: {  	_ =	shalt  }
0x7d: {  	_ =	shalt  }
0x7e: {  	_ =	shalt  }
0x7f: {  	_ =	shalt  }
0x80: {  	_ =	shalt  }
0x81: {  	_ =	shalt  }
0x82: {  	_ =	shalt  }
0x83: {  	_ =	shalt  }
0x84: {  	_ =	shalt  }
0x85: {  	_ =	shalt  }
0x86: {  	_ =	shalt  }
0x87: {  	_ =	shalt  }
.Lfunc_end0:
.L_simem_size_0:
called_computation_lowered:
.L_overlay_start_0:
0x88: {  	s2 =	sld [smem:$0x3FD9]  }
0x89: {  	s3 =	sld [smem:$0x3FFE];
	_ =	sdelay $0x1  }
0x8a: {  	s1 =	srdreg.scid  }
0x8b: {  	s0 =	sand.u32 $0x1, s1  }
0x8c: {  	s16 =	sshll.u32 s0, $0xA;
	s2 =	sadd.s32 s3, s2  }
0x8d: {  	s2 =	sadd.s32 s2, s16  }
0x8e: {  	[smem:$0x3FC5] =	sst s2  }
0x8f: {  	_ = 	snop  }
0x90: {  	(tm) =	ssettm $0x1  }
0x91: {  	s17 =	sld [smem:$0x3FFB];
	_ =	sdelay $0x3  }
0x92: {  	_ =	strace s17  }
0x93: {  	s2 =	sld [smem:$0x3FFC];
	_ =	sdelay $0x3  }
0x94: {  	_ =	strace s2  }
0x95: {  	s2 =	sld [smem:$0x3FFD];
	_ =	sdelay $0x3  }
0x96: {  	_ =	strace s2  }
0x97: {  	_ =	strace $0x8FFFFFFF  }
0x98: {  	s18 =	sld [smem:$0x3FDB];
	_ =	sdelay $0x1  }
0x99: {  	s19 =	simm.s32 $_scs_section_size  }
0x9a: {  	s4 =	simm.s32 $_size__tile_overlayer_lowered;
	s5 =	simm.s32 $_tile_overlayer_lowered  }
0x9b: {  	s22 =	simm.s32 $0x1BFF;
	s21 =	sshll.u32 s5, $0x1;
	s2 =	sadd.s32 s19, s18  }
0x9c: {  	s6 =	simm.s32 $0x0;
	s20 =	sshll.u32 s4, $0x1;
	s4 =	sadd.s32 s21, s2  }
0x9d: {  	[timem:s6], [sflag:s22] =	dma.local [hbm:s4], s20  }
0x9e: {  	_ =	swait.ge [sflag:s22], s20  }
0x9f: {  	s3 =	ssub.s32 $0x0, s20;
	[sflag:s22] =	ssyncset.done $0x0  }
0xa0: {  	[sflag:s22] =	ssyncadd.s32 s3;
	_ =	sdelay $0x1  }
0xa1: {  	s23 =	simm.s32 $0x1B8B  }
0xa2: {  	_ =	swait.ge [sflag:s23], $0x1  }
0xa3: {  	[sflag:s23] =	ssyncset.done $0x0  }
0xa4: {  	s25 =	simm.s32 $0x1B8E;
	s24 =	sld [smem:$0x3FFE];
	[sflag:s23] =	ssyncadd.s32 $0xFFFFFFFF  }
0xa5: {  	s26 =	simm.s32 $execute0_lowered;
	[smem:$0x3FD2] =	sst s25  }
0xa6: {  	s4 =	sshll.u32 s26, $0x1;
	_ =	strace $0x80000046;
	[dreg:$0x1] =	wrdreg $0xFFFFFFFF  }
0xa7: {  	s28 =	simm.s32 $_size_execute0_lowered;
	s2 =	sadd.s32 s2, s4;
	[dreg:$0x0] =	wrdreg $0x0  }
0xa8: {  	s4 =	sshll.u32 s28, $0x1;
	[dreg:$0x2] =	wrdreg s2  }
0xa9: {  	[dreg:$0x3] =	wrdreg s4  }
0xaa: {  	[dreg:$0x4] =	wrdreg $0xC0  }
0xab: {  	_ =	task [dreg:s6], $0x5FFFF  }
0xac: {  	[dreg:$0x1] =	wrdreg $0xFFFFFFFF  }
0xad: {  	[dreg:$0x0] =	wrdreg $0x60  }
0xae: {  	[dreg:$0x2] =	wrdreg s24  }
0xaf: {  	[dreg:$0x3] =	wrdreg $0x9  }
0xb0: {  	_ =	task.clear_ibuf [dreg:s6], $0x4FFFF;
	_ =	strace $0x90000046  }
0xb1: {  	s29 =	simm.s32 $0x9;
	_ =	strace $0x80000048  }
0xb2: {  	_ =	swait.ge [sflag:s29], $0x1  }
0xb3: {  	[sflag:s29] =	ssyncadd.s32 $0xFFFFFFFF  }
0xb4: {  	_ =	strace $0x90000048  }
0xb5: {  	_ =	sfence  }
0xb6: {  	s30 =	sld [smem:$0x0];
	_ =	sdelay $0x2  }
0xb7: {  	s31 =	sshll.u32 s1, $0xD;
	s1 =	sshrl.u32 s1, $0x2  }
0xb8: {  	s3 =	sand.u32 $0x4000, s31;
	s1 =	sadd.s32 s1, s30  }
0xb9: {  	s0 =	sor.u32 s3, s0;
	s1 =	sshll.u32 s1, $0x11  }
0xba: {  	s0 =	sor.u32 s1, s0  }
0xbb: {  	s0 =	sadd.s32 $0x8F2B, s0  }
0xbc: {  	[sflag:s0] =	ssyncadd.remote.s32 $0x1  }
0xbd: {  	_ =	sfence.sel $0xFFFF  }
0xbe: {  	[dreg:$0x0] =	wrdreg $0xFFFFFFFF;
	(pc) =	sbr.abs _section_cstart, $3  }
0xbf: {  	[dreg:$0x1] =	wrdreg $0xFFFFFFFF  }
0xc0: {  	_ =	task.clear_ibuf [dreg:s6], $0x2FFFF;
	_ =	strace $0x9FFFFFFF  }
0xc1: {  	(tm) =	ssettm $0x7FFFFFFF  }
tec
execute0_lowered:
.L_overlay_start_1:
0x0: {  	(tag) =	ssettag $0x1  }
0x1: {  	s1 =	srdreg.scid  }
0x2: {  	s0 =	stileid.u32;
	s3 =	rddreg [dreg:$0x0];
	s8 =	simm.s32 $0x1000  }
0x3: {  	s9 =	simm.s32 $0x2C00;
	s4 =	sand.u32 $0x1, s1;
	s2 =	sshll.u32 s0, $0x1  }
0x4: {  	s10 =	simm.s32 $0x80;
	s6 =	sshrl.u32 s0, $0x2;
	s5 =	sor.u32 s4, s2  }
0x5: {  	s11 =	simm.s32 $0x400;
	s6 =	smul.u32 $0xE000, s6;
	s7 =	sshll.u32 s5, $0x7  }
0x6: {  	s1 =	rddreg [dreg:$0x1];
	s2 =	simm.s32 $0x0;
	s7 =	sand.u32 $0x380, s7  }
0x7: {  	s4 =	ssub.s32 $0x2, s4;
	[smem:$0x7FF] =	sst s2;
	s6 =	sor.u32 s6, s7  }
0x8: {  	s5 =	sshll.u32 s5, $0xE;
	s31 =	sshrl.u32 s4, $0x1;
	s6 =	sshrl.u32 s6, $0x3  }
0x9: {  	_ =	strace $0x80000047;
	s5 =	sadd.s32 s5, s3;
	s6 =	sadd.s32 s6, s3  }
0xa: {  	s7 =	ssub.s32 s4, s31;
	s3 =	sadd.s32 $0x1000, s5;
	s4 =	sadd.s32 $0x81000, s6  }
0xb: {  	v0 =	vimm.f32 $0.0e+00;
	v1 =	vimm.f32 $1.000000000e+00;
	s5 =	sadd.s32 $0x88000, s6;
	s6 =	smax.u32 s7, $0x1;
	s7 =	simm.s32 $0x1  }
.LBB2_1:
0xc: {  	s12 =	simm.s32 $0x40;
	s13 =	simm.s32 $0x0  }
.LBB2_2:
0xd: {  	p0 =	sne.s32 s12, $0x6FC0;
	[tilespmem:s13+$0x1000] =	vst v0;
	s14 =	smov.u32 s12;
	s12 =	sadd.s32 $0x40, s12  }
.Ltmp0:
0xe: {  	[tilespmem:s13+$0x2C00] =	vst v0;
	(pc) =	sbr.rel @p0 .LBB2_2-.Ltmp0, $2  }
0xf: {  	_ =	sdelay $0x2  }
0x10: {  	s13 =	sshra.s32 s14, $0x2  }
0x11: {  	[tilespmem:s13+$0x1000] =	vst v0  }
0x12: {  	s12 =	simm.s32 $0x0;
	[tilespmem:s13+$0x2C00] =	vst v0;
	s13 =	simm.s32 $0x0  }
.LBB2_4:
0x13: {  	s14 =	sshll.u32 s13, $0x9  }
0x14: {  	s14 =	sadd.s32 s14, s3  }
0x15: {  	[tilespmem:s12], [sflag:$0x1] =	stream.linear.gather [hbm4b:s14+s12], $0x1000, $0x38;
	[tilespmem:$0x4800] =	vst v63  }
0x16: {  	_ =	swait.ge [sflag:s7], $0x1000  }
0x17: {  	[sflag:s7] =	ssyncset.done $0x0  }
0x18: {  	s31 =	simm.s32 $0x0;
	[sflag:s7] =	ssyncadd.s32 $0xFFFFF000  }
0x19: {  	s14 =	simm.s32 $0x40;
	v2 =	vld [tilespmem:s31+$0x0]  }
.LBB2_5:
0x1a: {  	p0 =	sne.s32 s14, $0x3FC0;
	_ =	sdelay $0x3  }
0x1b: {  	v3 =	vshra.s32 v2, $0xE  }
0x1c: {  	vm0 =	vgt.s32 v3, $0xE200  }
0x1d: {  	v3 =	vnsel vm0, $0xE200, v3  }
0x1e: {  	vm0 =	vlt.f32 v2, $1.500000000e+00;
	v3 =	vmin.u32 v3, $0xFDFF  }
0x1f: {  	v3 =	vadd.s32 $0xFFFF1E00, v3;
	_ =	sdelay $0x2  }
.Ltmp1:
0x20: {  	(pc) =	sbr.rel @p0 .LBB2_5-.Ltmp1, $4  }
0x21: {  	_ = 	snop  }
0x22: {  	[tilespmem:v3+s8+$0x0] =	vst.idx.add.f32.msk vm0, v1  }
0x23: {  	s15 =	sshra.s32 s14, $0x2;
	[tilespmem:v3+s9+$0x0] =	vst.idx.add.f32.msk vm0, v2  }
0x24: {  	s14 =	sadd.s32 $0x40, s14;
	v2 =	vld [tilespmem:s15+$0x0]  }
0x25: {  	_ =	sdelay $0x3  }
0x26: {  	v3 =	vshra.s32 v2, $0xE  }
0x27: {  	vm0 =	vgt.s32 v3, $0xE200  }
0x28: {  	v3 =	vnsel vm0, $0xE200, v3  }
0x29: {  	vm15 =	vlt.f32 v2, $1.500000000e+00;
	v3 =	vmin.u32 v3, $0xFDFF  }
0x2a: {  	s13 =	sadd.s32 $0x1, s13;
	v3 =	vadd.s32 $0xFFFF1E00, v3  }
0x2b: {  	p0 =	sne.s32 s13, $0x20  }
.Ltmp2:
0x2c: {  	_ = 	snop;
	(pc) =	sbr.rel @p0 .LBB2_4-.Ltmp2, $3  }
0x2d: {  	_ =	sdelay $0x1  }
0x2e: {  	[tilespmem:v3+s8+$0x0] =	vst.idx.add.f32.msk vm15, v1  }
0x2f: {  	[tilespmem:v3+s9+$0x0] =	vst.idx.add.f32.msk vm15, v2  }
0x30: {  	[hbm4b:s4+s10] =	stream.strided.scatter [tilespmem:s8], [sflag:$0x1], $0x1C00, s11, s10, $0x38;
	[tilespmem:$0x4800] =	vst v63  }
0x31: {  	s2 =	sadd.s32 $0x1, s2;
	_ =	swait.ge [sflag:s7], $0x1C00  }
0x32: {  	p0 =	sne.s32 s2, s6;
	[sflag:s7] =	ssyncset.done $0x0  }
.Ltmp3:
0x33: {  	[sflag:s7] =	ssyncadd.s32 $0xFFFFE400;
	(pc) =	sbr.rel @p0 .LBB2_1-.Ltmp3, $4  }
0x34: {  	[hbm4b:s5+s10] =	stream.strided.scatter [tilespmem:s9], [sflag:$0x1], $0x1C00, s11, s10, $0x38;
	[tilespmem:$0x4800] =	vst v63  }
0x35: {  	_ =	swait.ge [sflag:s7], $0x1C00  }
0x36: {  	[sflag:s7] =	ssyncset.done $0x0  }
0x37: {  	[sflag:s7] =	ssyncadd.s32 $0xFFFFE400  }
0x38: {  	_ =	sfence.sel $0x180000  }
0x39: {  	[bflag:$0x0] =	sbarrier.arrive $0xFFFF  }
0x3a: {  	p0 =	sne.s32 s0, $0x0;
	_ =	strace $0x90000047  }
0x3b: {  	s0 =	sadd.s32 @!p0 $0x100000, s1;
	[bflag:$0x2] =	sbarrier.arrive $0xFFFF  }
0x3c: {  	[sflag:s0] =	ssyncadd.tile.s32 @!p0 $0x1;
	_ =	shalt  }
.Lfunc_end2:
_tile_overlayer_lowered:
.L_overlay_start_2:
0x3d: {  	(tag) =	ssettag $0x2  }
0x3e: {  	s0 =	rddreg [dreg:$0x0];
	s2 =	stileid.u32  }
0x3f: {  	s1 =	rddreg [dreg:$0x1];
	p0 =	sne.s32 s2, $0x0  }
0x40: {  	s3 =	rddreg [dreg:$0x2];
	[bflag:$0x3] =	sbarrier.arrive $0xFFFF;
	s2 =	simm.s32 @!p0 $0x1C01  }
0x41: {  	[timem:s3], [sflag:s2] =	dma.local @!p0 [hbm:s0], s1  }
0x42: {  	s0 =	simm.s32 @!p0 $0x1  }
0x43: {  	_ =	swait.ge @!p0 [sflag:s0], s1  }
0x44: {  	s1 =	ssub.s32 @!p0 $0x0, s1;
	[sflag:s0] =	ssyncset.done @!p0 $0x0  }
0x45: {  	[sflag:s0] =	ssyncadd.s32 @!p0 s1  }
0x46: {  	[bflag:$0x3] =	sbarrier.arrive $0xFFFF  }
0x47: {  	_ =	shalt  }

</sc_bundles>
